<compile_context>
chip_gen: v7x
topology: tpu7x:2x2x1
jax: 0.10.2.dev20260603
libtpu: 0.0.44.dev20260713+nightly
codegen_flags: <defaults>
</compile_context>

<pallas_src>
import functools

import jax
import jax.numpy as jnp
from jax import lax
from jax.experimental import pallas as pl
from jax.experimental.pallas import tpu as pltpu
from jax.experimental.pallas import tpu_sc as plsc

_NC = 2
_NS = 16
_NW = _NC * _NS
_L = 16


def kernel(inputs, reverse_p_array):
    b, c, h, w = inputs.shape
    n = h * w
    nrows = b * n
    rows_per = nrows // _NW
    ch = 64
    n_chunks = rows_per // ch

    xt = jnp.transpose(inputs, (0, 2, 3, 1)).reshape(nrows, c)
    perm = reverse_p_array.astype(jnp.int32)

    mesh = plsc.VectorSubcoreMesh(core_axis_name="c", subcore_axis_name="s")

    @functools.partial(
        pl.kernel,
        mesh=mesh,
        compiler_params=pltpu.CompilerParams(
            needs_layout_passes=False, use_tc_tiling_on_sc=True),
        out_type=jax.ShapeDtypeStruct((nrows, c), jnp.float32),
        scratch_types=[
            pltpu.VMEM((n,), jnp.int32),
            pltpu.VMEM((ch,), jnp.int32),
            pltpu.VMEM((ch,), jnp.int32),
            pltpu.VMEM((ch, c), jnp.float32),
            pltpu.VMEM((ch, c), jnp.float32),
            pltpu.SemaphoreType.DMA,
            pltpu.SemaphoreType.DMA,
            pltpu.SemaphoreType.DMA,
            pltpu.SemaphoreType.DMA,
        ],
    )
    def run(xt_hbm, perm_hbm, out_hbm, perm_v, idx0, idx1, buf0, buf1,
            sem_g0, sem_g1, sem_s0, sem_s1):
        wid = lax.axis_index("s") * _NC + lax.axis_index("c")
        pltpu.sync_copy(perm_hbm, perm_v)

        base = wid * rows_per
        idxs = (idx0, idx1)
        bufs = (buf0, buf1)
        sems_g = (sem_g0, sem_g1)
        sems_s = (sem_s0, sem_s1)

        def build_idx(k, slot):
            o0 = base + k * ch
            bi = o0 // n
            q0 = lax.rem(o0, n)
            for v in range(ch // _L):
                pv = perm_v[pl.ds(q0 + v * _L, _L)]
                idxs[slot][pl.ds(v * _L, _L)] = pv + bi * n

        def gather(slot):
            return pltpu.make_async_copy(
                xt_hbm.at[idxs[slot]], bufs[slot], sems_g[slot])

        def scatter(k, slot):
            o0 = base + k * ch
            return pltpu.make_async_copy(
                bufs[slot], out_hbm.at[pl.ds(o0, ch)], sems_s[slot])

        build_idx(0, 0)
        gather(0).start()

        def pair(p, carry):
            for slot in range(2):
                k = p * 2 + slot

                @pl.when(k + 1 < n_chunks)
                def _():
                    @pl.when(k >= 1)
                    def _():
                        scatter(k - 1, 1 - slot).wait()

                    build_idx(k + 1, 1 - slot)
                    gather(1 - slot).start()

                gather(slot).wait()
                scatter(k, slot).start()
            return carry

        lax.fori_loop(0, n_chunks // 2, pair, 0)
        scatter(n_chunks - 2, 0).wait()
        scatter(n_chunks - 1, 1).wait()

    yt = run(xt, perm)
    return jnp.transpose(yt.reshape(b, h, w, c), (0, 3, 1, 2))

# --- scband reference (transcript-rebuilt; emitter-appended) ---
"""Pipeline reference for scband-de-interleaver2-dold-46978352284081 (READ-ONLY COPY).

The authoritative reference and input builder live on the scoring server;
editing this copy changes nothing except your own understanding.
"""

import jax, jax.numpy as jnp
import numpy as np

IMG_SIZE = 16
B, C = 256, 512


def _make_reverse_p_array():
    # p_array used at init: reversed identity permutation of length img_size**2
    n = IMG_SIZE * IMG_SIZE
    p_array = np.arange(n - 1, -1, -1, dtype=np.int64)
    reverse_p = np.zeros(n, dtype=np.int64)
    reverse_p[p_array] = np.arange(n, dtype=np.int64)
    return jnp.asarray(reverse_p)


def setup_inputs(seed: int = 0) -> dict:
    key = jax.random.key(seed)
    inputs = jax.random.normal(key, (B, C, IMG_SIZE, IMG_SIZE), dtype=jnp.float32)
    reverse_p_array = _make_reverse_p_array()
    return {"inputs": inputs, "reverse_p_array": reverse_p_array}


def reference(inputs, reverse_p_array):
    input_shape = inputs.shape  # (B, C, H, W)
    b, c, h, w = input_shape
    x = inputs.reshape(b, c, h * w)
    x = jnp.transpose(x, (2, 0, 1))          # (H*W, B, C)
    res = x[reverse_p_array]                 # gather along spatial dim
    res = jnp.transpose(res, (1, 2, 0))      # (B, C, H*W)
    res = res.reshape(input_shape)
    return res

if __name__ == "__main__":
    import jax
    _d = setup_inputs()
    print(jax.jit(kernel)(*tuple(_d.values())))

</pallas_src>

<mosaic_0001>
#map = affine_map<(d0, d1) -> (0, 0)>
#map1 = affine_map<(d0, d1) -> (0)>
module attributes {stable_mosaic.version = 14 : i64} {
  func.func @run(%arg0: i32, %arg1: i32, %arg2: memref<65536x512xf32, #tpu.memory_space<hbm>>, %arg3: memref<256xi32, #tpu.memory_space<hbm>>, %arg4: memref<65536x512xf32, #tpu.memory_space<hbm>>, %arg5: memref<256xi32, #tpu.memory_space<vmem>>, %arg6: memref<64xi32, #tpu.memory_space<vmem>>, %arg7: memref<64xi32, #tpu.memory_space<vmem>>, %arg8: memref<64x512xf32, #tpu.memory_space<vmem>>, %arg9: memref<64x512xf32, #tpu.memory_space<vmem>>, %arg10: memref<!tpu.dma_semaphore, #tpu.memory_space<semaphore_mem>>, %arg11: memref<!tpu.dma_semaphore, #tpu.memory_space<semaphore_mem>>, %arg12: memref<!tpu.dma_semaphore, #tpu.memory_space<semaphore_mem>>, %arg13: memref<!tpu.dma_semaphore, #tpu.memory_space<semaphore_mem>>) attributes {dimension_semantics = [#tpu.dimension_semantics<core_parallel>, #tpu.dimension_semantics<subcore_parallel>], iteration_bounds = array<i64: 2, 16>, scalar_prefetch = 0 : i64, scratch_operands = 9 : i64, tpu.core_type = #tpu.core_type<sc_vector_subcore>, window_params = [{transform_indices = #map}, {transform_indices = #map1}, {transform_indices = #map}]} {
    %mul3A = arith.constant 2 : i32
    %mul3A_0 = arith.muli %arg1, %mul3A : i32
    %add3A = arith.addi %mul3A_0, %arg0 : i32
    "tpu.region"() ({
      %run_scoped3A = tpu.sem_alloc : memref<!tpu.dma_semaphore, #tpu.memory_space<semaphore_mem>>
      tpu.enqueue_dma source(%arg3 : memref<256xi32, #tpu.memory_space<hbm>>) target(%arg5 : memref<256xi32, #tpu.memory_space<vmem>>) target_semaphore(%run_scoped3A : memref<!tpu.dma_semaphore, #tpu.memory_space<semaphore_mem>>)
      tpu.wait_dma2 semaphore(%run_scoped3A : memref<!tpu.dma_semaphore, #tpu.memory_space<semaphore_mem>>) src(%arg3 : memref<256xi32, #tpu.memory_space<hbm>>) dst(%arg5 : memref<256xi32, #tpu.memory_space<vmem>>)
      tpu.yield
    }) : () -> ()
    %mul3A_1 = arith.constant 2048 : i32
    %mul3A_2 = arith.muli %add3A, %mul3A_1 : i32
    %add3A_3 = arith.constant 0 : i32
    %add3A_4 = arith.addi %mul3A_2, %add3A_3 : i32
    %jit3A = arith.constant 256 : i32
    %div3A = arith.divsi %add3A_4, %jit3A : i32
    %sign3A = arith.constant 0 : i32
    %sign3A_5 = arith.cmpi sgt, %add3A_4, %sign3A : i32
    %sign3A_6 = arith.extui %sign3A_5 : i1 to i32
    %sign3A_7 = arith.constant 0 : i32
    %sign3A_8 = arith.cmpi slt, %add3A_4, %sign3A_7 : i32
    %sign3A_9 = arith.extui %sign3A_8 : i1 to i32
    %sign3A_10 = arith.subi %sign3A_6, %sign3A_9 : i32
    %sign3A_11 = arith.constant 0 : i32
    %sign3A_12 = arith.cmpi sgt, %jit3A, %sign3A_11 : i32
    %sign3A_13 = arith.extui %sign3A_12 : i1 to i32
    %sign3A_14 = arith.constant 0 : i32
    %sign3A_15 = arith.cmpi slt, %jit3A, %sign3A_14 : i32
    %sign3A_16 = arith.extui %sign3A_15 : i1 to i32
    %sign3A_17 = arith.subi %sign3A_13, %sign3A_16 : i32
    %ne3A = arith.cmpi ne, %sign3A_10, %sign3A_17 : i32
    %rem3A = arith.remsi %add3A_4, %jit3A : i32
    %ne3A_18 = arith.constant 0 : i32
    %ne3A_19 = arith.cmpi ne, %rem3A, %ne3A_18 : i32
    %and3A = arith.andi %ne3A, %ne3A_19 : i1
    %sub3A = arith.constant 1 : i32
    %sub3A_20 = arith.subi %div3A, %sub3A : i32
    %select_n3A = arith.select %and3A, %sub3A_20, %div3A : i32
    %rem3A_21 = arith.constant 256 : i32
    %rem3A_22 = arith.remsi %add3A_4, %rem3A_21 : i32
    %add3A_23 = arith.constant 0 : i32
    %add3A_24 = arith.addi %rem3A_22, %add3A_23 : i32
    %get3A = arith.index_cast %add3A_24 : i32 to index
    %get3A_25 = tpu.vector_load %arg5[%get3A] {strides = array<i32>} : memref<256xi32, #tpu.memory_space<vmem>>, vector<16xi32>,
    %mul3A_26 = arith.constant 256 : i32
    %mul3A_27 = arith.muli %select_n3A, %mul3A_26 : i32
    %add3A_28 = vector.broadcast %mul3A_27 : i32 to vector<16xi32>
    %add3A_29 = arith.addi %get3A_25, %add3A_28 : vector<16xi32>
    %swap3A = arith.constant 0 : index
    %swap3A_30 = tpu.vector_load %arg6[%swap3A] {strides = array<i32>} : memref<64xi32, #tpu.memory_space<vmem>>, vector<16xi32>,
    tpu.vector_store %arg6[%swap3A], %add3A_29 {strides = array<i32>} : memref<64xi32, #tpu.memory_space<vmem>>, vector<16xi32>,
    %add3A_31 = arith.constant 16 : i32
    %add3A_32 = arith.addi %rem3A_22, %add3A_31 : i32
    %get3A_33 = arith.index_cast %add3A_32 : i32 to index
    %get3A_34 = tpu.vector_load %arg5[%get3A_33] {strides = array<i32>} : memref<256xi32, #tpu.memory_space<vmem>>, vector<16xi32>,
    %mul3A_35 = arith.constant 256 : i32
    %mul3A_36 = arith.muli %select_n3A, %mul3A_35 : i32
    %add3A_37 = vector.broadcast %mul3A_36 : i32 to vector<16xi32>
    %add3A_38 = arith.addi %get3A_34, %add3A_37 : vector<16xi32>
    %swap3A_39 = arith.constant 16 : index
    %swap3A_40 = tpu.vector_load %arg6[%swap3A_39] {strides = array<i32>} : memref<64xi32, #tpu.memory_space<vmem>>, vector<16xi32>,
    tpu.vector_store %arg6[%swap3A_39], %add3A_38 {strides = array<i32>} : memref<64xi32, #tpu.memory_space<vmem>>, vector<16xi32>,
    %add3A_41 = arith.constant 32 : i32
    %add3A_42 = arith.addi %rem3A_22, %add3A_41 : i32
    %get3A_43 = arith.index_cast %add3A_42 : i32 to index
    %get3A_44 = tpu.vector_load %arg5[%get3A_43] {strides = array<i32>} : memref<256xi32, #tpu.memory_space<vmem>>, vector<16xi32>,
    %mul3A_45 = arith.constant 256 : i32
    %mul3A_46 = arith.muli %select_n3A, %mul3A_45 : i32
    %add3A_47 = vector.broadcast %mul3A_46 : i32 to vector<16xi32>
    %add3A_48 = arith.addi %get3A_44, %add3A_47 : vector<16xi32>
    %swap3A_49 = arith.constant 32 : index
    %swap3A_50 = tpu.vector_load %arg6[%swap3A_49] {strides = array<i32>} : memref<64xi32, #tpu.memory_space<vmem>>, vector<16xi32>,
    tpu.vector_store %arg6[%swap3A_49], %add3A_48 {strides = array<i32>} : memref<64xi32, #tpu.memory_space<vmem>>, vector<16xi32>,
    %add3A_51 = arith.constant 48 : i32
    %add3A_52 = arith.addi %rem3A_22, %add3A_51 : i32
    %get3A_53 = arith.index_cast %add3A_52 : i32 to index
    %get3A_54 = tpu.vector_load %arg5[%get3A_53] {strides = array<i32>} : memref<256xi32, #tpu.memory_space<vmem>>, vector<16xi32>,
    %mul3A_55 = arith.constant 256 : i32
    %mul3A_56 = arith.muli %select_n3A, %mul3A_55 : i32
    %add3A_57 = vector.broadcast %mul3A_56 : i32 to vector<16xi32>
    %add3A_58 = arith.addi %get3A_54, %add3A_57 : vector<16xi32>
    %swap3A_59 = arith.constant 48 : index
    %swap3A_60 = tpu.vector_load %arg6[%swap3A_59] {strides = array<i32>} : memref<64xi32, #tpu.memory_space<vmem>>, vector<16xi32>,
    tpu.vector_store %arg6[%swap3A_59], %add3A_58 {strides = array<i32>} : memref<64xi32, #tpu.memory_space<vmem>>, vector<16xi32>,
    %dma_start3A = arith.constant 0 : i32
    %dma_start3A_61 = arith.constant 0 : i32
    %dma_start3A_62 = tpu.memref_slice %arg2[%dma_start3A, %dma_start3A_61] : memref<65536x512xf32, #tpu.memory_space<hbm>> -> memref<65536x512xf32, #tpu.memory_space<hbm>>
    tpu.enqueue_indirect_dma source(%dma_start3A_62 : memref<65536x512xf32, #tpu.memory_space<hbm>>) target(%arg8 : memref<64x512xf32, #tpu.memory_space<vmem>>) offsets(%arg6 : memref<64xi32, #tpu.memory_space<vmem>>) semaphore(%arg10 : memref<!tpu.dma_semaphore, #tpu.memory_space<semaphore_mem>>)
    %scan3A = arith.constant 0 : i32
    %scan3A_63 = arith.constant 0 : i32
    %scan3A_64 = arith.constant 16 : i32
    %scan3A_65 = arith.addi %scan3A_63, %scan3A_64 : i32
    %scan3A_66 = arith.constant 1 : i32
    scf.for %scan3A_79 = %scan3A_63 to %scan3A_65 step %scan3A_66  : i32 {
      %mul3A_80 = arith.constant 2 : i32
      %mul3A_81 = arith.muli %scan3A_79, %mul3A_80 : i32
      %add3A_82 = arith.constant 0 : i32
      %add3A_83 = arith.addi %mul3A_81, %add3A_82 : i32
      %add3A_84 = arith.constant 1 : i32
      %add3A_85 = arith.addi %add3A_83, %add3A_84 : i32
      %lt3A = arith.constant 32 : i32
      %lt3A_86 = arith.cmpi slt, %add3A_85, %lt3A : i32
      %convert_element_type3A = arith.extui %lt3A_86 : i1 to i32
      %cond3A = arith.constant 0 : i32
      %cond3A_87 = arith.cmpi ne, %convert_element_type3A, %cond3A : i32
      scf.if %cond3A_87 {
        %ge3A = arith.constant 1 : i32
        %ge3A_119 = arith.cmpi sge, %add3A_83, %ge3A : i32
        %convert_element_type3A_120 = arith.extui %ge3A_119 : i1 to i32
        %cond3A_121 = arith.constant 0 : i32
        %cond3A_122 = arith.cmpi ne, %convert_element_type3A_120, %cond3A_121 : i32
        scf.if %cond3A_122 {
          %sub3A_197 = arith.constant 1 : i32
          %sub3A_198 = arith.subi %add3A_83, %sub3A_197 : i32
          %mul3A_199 = arith.constant 64 : i32
          %mul3A_200 = arith.muli %sub3A_198, %mul3A_199 : i32
          %add3A_201 = arith.addi %mul3A_2, %mul3A_200 : i32
          %dma_wait3A_202 = arith.constant 0 : i32
          %dma_wait3A_203 = tpu.memref_slice %arg4[%add3A_201, %dma_wait3A_202] : memref<65536x512xf32, #tpu.memory_space<hbm>> -> memref<64x512xf32, #tpu.memory_space<hbm>>
          %dma_wait3A_204 = arith.constant 0 : i32
          %dma_wait3A_205 = tpu.memref_slice %arg4[%add3A_201, %dma_wait3A_204] : memref<65536x512xf32, #tpu.memory_space<hbm>> -> memref<64x512xf32, #tpu.memory_space<hbm>>
          tpu.wait_dma2 semaphore(%arg13 : memref<!tpu.dma_semaphore, #tpu.memory_space<semaphore_mem>>) src(%arg9 : memref<64x512xf32, #tpu.memory_space<vmem>>) dst(%dma_wait3A_205 : memref<64x512xf32, #tpu.memory_space<hbm>>)
        } else {
        }
        %add3A_123 = arith.constant 1 : i32
        %add3A_124 = arith.addi %add3A_83, %add3A_123 : i32
        %mul3A_125 = arith.constant 64 : i32
        %mul3A_126 = arith.muli %add3A_124, %mul3A_125 : i32
        %add3A_127 = arith.addi %mul3A_2, %mul3A_126 : i32
        %jit3A_128 = arith.constant 256 : i32
        %div3A_129 = arith.divsi %add3A_127, %jit3A_128 : i32
        %sign3A_130 = arith.constant 0 : i32
        %sign3A_131 = arith.cmpi sgt, %add3A_127, %sign3A_130 : i32
        %sign3A_132 = arith.extui %sign3A_131 : i1 to i32
        %sign3A_133 = arith.constant 0 : i32
        %sign3A_134 = arith.cmpi slt, %add3A_127, %sign3A_133 : i32
        %sign3A_135 = arith.extui %sign3A_134 : i1 to i32
        %sign3A_136 = arith.subi %sign3A_132, %sign3A_135 : i32
        %sign3A_137 = arith.constant 0 : i32
        %sign3A_138 = arith.cmpi sgt, %jit3A_128, %sign3A_137 : i32
        %sign3A_139 = arith.extui %sign3A_138 : i1 to i32
        %sign3A_140 = arith.constant 0 : i32
        %sign3A_141 = arith.cmpi slt, %jit3A_128, %sign3A_140 : i32
        %sign3A_142 = arith.extui %sign3A_141 : i1 to i32
        %sign3A_143 = arith.subi %sign3A_139, %sign3A_142 : i32
        %ne3A_144 = arith.cmpi ne, %sign3A_136, %sign3A_143 : i32
        %rem3A_145 = arith.remsi %add3A_127, %jit3A_128 : i32
        %ne3A_146 = arith.constant 0 : i32
        %ne3A_147 = arith.cmpi ne, %rem3A_145, %ne3A_146 : i32
        %and3A_148 = arith.andi %ne3A_144, %ne3A_147 : i1
        %sub3A_149 = arith.constant 1 : i32
        %sub3A_150 = arith.subi %div3A_129, %sub3A_149 : i32
        %select_n3A_151 = arith.select %and3A_148, %sub3A_150, %div3A_129 : i32
        %rem3A_152 = arith.constant 256 : i32
        %rem3A_153 = arith.remsi %add3A_127, %rem3A_152 : i32
        %add3A_154 = arith.constant 0 : i32
        %add3A_155 = arith.addi %rem3A_153, %add3A_154 : i32
        %get3A_156 = arith.index_cast %add3A_155 : i32 to index
        %get3A_157 = tpu.vector_load %arg5[%get3A_156] {strides = array<i32>} : memref<256xi32, #tpu.memory_space<vmem>>, vector<16xi32>,
        %mul3A_158 = arith.constant 256 : i32
        %mul3A_159 = arith.muli %select_n3A_151, %mul3A_158 : i32
        %add3A_160 = vector.broadcast %mul3A_159 : i32 to vector<16xi32>
        %add3A_161 = arith.addi %get3A_157, %add3A_160 : vector<16xi32>
        %swap3A_162 = arith.constant 0 : index
        %swap3A_163 = tpu.vector_load %arg7[%swap3A_162] {strides = array<i32>} : memref<64xi32, #tpu.memory_space<vmem>>, vector<16xi32>,
        tpu.vector_store %arg7[%swap3A_162], %add3A_161 {strides = array<i32>} : memref<64xi32, #tpu.memory_space<vmem>>, vector<16xi32>,
        %add3A_164 = arith.constant 16 : i32
        %add3A_165 = arith.addi %rem3A_153, %add3A_164 : i32
        %get3A_166 = arith.index_cast %add3A_165 : i32 to index
        %get3A_167 = tpu.vector_load %arg5[%get3A_166] {strides = array<i32>} : memref<256xi32, #tpu.memory_space<vmem>>, vector<16xi32>,
        %mul3A_168 = arith.constant 256 : i32
        %mul3A_169 = arith.muli %select_n3A_151, %mul3A_168 : i32
        %add3A_170 = vector.broadcast %mul3A_169 : i32 to vector<16xi32>
        %add3A_171 = arith.addi %get3A_167, %add3A_170 : vector<16xi32>
        %swap3A_172 = arith.constant 16 : index
        %swap3A_173 = tpu.vector_load %arg7[%swap3A_172] {strides = array<i32>} : memref<64xi32, #tpu.memory_space<vmem>>, vector<16xi32>,
        tpu.vector_store %arg7[%swap3A_172], %add3A_171 {strides = array<i32>} : memref<64xi32, #tpu.memory_space<vmem>>, vector<16xi32>,
        %add3A_174 = arith.constant 32 : i32
        %add3A_175 = arith.addi %rem3A_153, %add3A_174 : i32
        %get3A_176 = arith.index_cast %add3A_175 : i32 to index
        %get3A_177 = tpu.vector_load %arg5[%get3A_176] {strides = array<i32>} : memref<256xi32, #tpu.memory_space<vmem>>, vector<16xi32>,
        %mul3A_178 = arith.constant 256 : i32
        %mul3A_179 = arith.muli %select_n3A_151, %mul3A_178 : i32
        %add3A_180 = vector.broadcast %mul3A_179 : i32 to vector<16xi32>
        %add3A_181 = arith.addi %get3A_177, %add3A_180 : vector<16xi32>
        %swap3A_182 = arith.constant 32 : index
        %swap3A_183 = tpu.vector_load %arg7[%swap3A_182] {strides = array<i32>} : memref<64xi32, #tpu.memory_space<vmem>>, vector<16xi32>,
        tpu.vector_store %arg7[%swap3A_182], %add3A_181 {strides = array<i32>} : memref<64xi32, #tpu.memory_space<vmem>>, vector<16xi32>,
        %add3A_184 = arith.constant 48 : i32
        %add3A_185 = arith.addi %rem3A_153, %add3A_184 : i32
        %get3A_186 = arith.index_cast %add3A_185 : i32 to index
        %get3A_187 = tpu.vector_load %arg5[%get3A_186] {strides = array<i32>} : memref<256xi32, #tpu.memory_space<vmem>>, vector<16xi32>,
        %mul3A_188 = arith.constant 256 : i32
        %mul3A_189 = arith.muli %select_n3A_151, %mul3A_188 : i32
        %add3A_190 = vector.broadcast %mul3A_189 : i32 to vector<16xi32>
        %add3A_191 = arith.addi %get3A_187, %add3A_190 : vector<16xi32>
        %swap3A_192 = arith.constant 48 : index
        %swap3A_193 = tpu.vector_load %arg7[%swap3A_192] {strides = array<i32>} : memref<64xi32, #tpu.memory_space<vmem>>, vector<16xi32>,
        tpu.vector_store %arg7[%swap3A_192], %add3A_191 {strides = array<i32>} : memref<64xi32, #tpu.memory_space<vmem>>, vector<16xi32>,
        %dma_start3A_194 = arith.constant 0 : i32
        %dma_start3A_195 = arith.constant 0 : i32
        %dma_start3A_196 = tpu.memref_slice %arg2[%dma_start3A_194, %dma_start3A_195] : memref<65536x512xf32, #tpu.memory_space<hbm>> -> memref<65536x512xf32, #tpu.memory_space<hbm>>
        tpu.enqueue_indirect_dma source(%dma_start3A_196 : memref<65536x512xf32, #tpu.memory_space<hbm>>) target(%arg9 : memref<64x512xf32, #tpu.memory_space<vmem>>) offsets(%arg7 : memref<64xi32, #tpu.memory_space<vmem>>) semaphore(%arg11 : memref<!tpu.dma_semaphore, #tpu.memory_space<semaphore_mem>>)
      } else {
      }
      %dma_wait3A_88 = arith.constant 0 : i32
      %dma_wait3A_89 = arith.constant 0 : i32
      %dma_wait3A_90 = tpu.memref_slice %arg2[%dma_wait3A_88, %dma_wait3A_89] : memref<65536x512xf32, #tpu.memory_space<hbm>> -> memref<65536x512xf32, #tpu.memory_space<hbm>>
      tpu.wait_indirect_dma semaphore(%arg10 : memref<!tpu.dma_semaphore, #tpu.memory_space<semaphore_mem>>) src(%dma_wait3A_90 : memref<65536x512xf32, #tpu.memory_space<hbm>>) dst(%arg8 : memref<64x512xf32, #tpu.memory_space<vmem>>)
      %mul3A_91 = arith.constant 64 : i32
      %mul3A_92 = arith.muli %add3A_83, %mul3A_91 : i32
      %add3A_93 = arith.addi %mul3A_2, %mul3A_92 : i32
      %dma_start3A_94 = arith.constant 0 : i32
      %dma_start3A_95 = tpu.memref_slice %arg4[%add3A_93, %dma_start3A_94] : memref<65536x512xf32, #tpu.memory_space<hbm>> -> memref<64x512xf32, #tpu.memory_space<hbm>>
      %dma_start3A_96 = arith.constant 0 : i32
      %dma_start3A_97 = tpu.memref_slice %arg4[%add3A_93, %dma_start3A_96] : memref<65536x512xf32, #tpu.memory_space<hbm>> -> memref<64x512xf32, #tpu.memory_space<hbm>>
      tpu.enqueue_dma source(%arg8 : memref<64x512xf32, #tpu.memory_space<vmem>>) target(%dma_start3A_97 : memref<64x512xf32, #tpu.memory_space<hbm>>) target_semaphore(%arg12 : memref<!tpu.dma_semaphore, #tpu.memory_space<semaphore_mem>>)
      %mul3A_98 = arith.constant 2 : i32
      %mul3A_99 = arith.muli %scan3A_79, %mul3A_98 : i32
      %add3A_100 = arith.constant 1 : i32
      %add3A_101 = arith.addi %mul3A_99, %add3A_100 : i32
      %add3A_102 = arith.constant 1 : i32
      %add3A_103 = arith.addi %add3A_101, %add3A_102 : i32
      %lt3A_104 = arith.constant 32 : i32
      %lt3A_105 = arith.cmpi slt, %add3A_103, %lt3A_104 : i32
      %convert_element_type3A_106 = arith.extui %lt3A_105 : i1 to i32
      %cond3A_107 = arith.constant 0 : i32
      %cond3A_108 = arith.cmpi ne, %convert_element_type3A_106, %cond3A_107 : i32
      scf.if %cond3A_108 {
        %ge3A = arith.constant 1 : i32
        %ge3A_119 = arith.cmpi sge, %add3A_101, %ge3A : i32
        %convert_element_type3A_120 = arith.extui %ge3A_119 : i1 to i32
        %cond3A_121 = arith.constant 0 : i32
        %cond3A_122 = arith.cmpi ne, %convert_element_type3A_120, %cond3A_121 : i32
        scf.if %cond3A_122 {
          %sub3A_197 = arith.constant 1 : i32
          %sub3A_198 = arith.subi %add3A_101, %sub3A_197 : i32
          %mul3A_199 = arith.constant 64 : i32
          %mul3A_200 = arith.muli %sub3A_198, %mul3A_199 : i32
          %add3A_201 = arith.addi %mul3A_2, %mul3A_200 : i32
          %dma_wait3A_202 = arith.constant 0 : i32
          %dma_wait3A_203 = tpu.memref_slice %arg4[%add3A_201, %dma_wait3A_202] : memref<65536x512xf32, #tpu.memory_space<hbm>> -> memref<64x512xf32, #tpu.memory_space<hbm>>
          %dma_wait3A_204 = arith.constant 0 : i32
          %dma_wait3A_205 = tpu.memref_slice %arg4[%add3A_201, %dma_wait3A_204] : memref<65536x512xf32, #tpu.memory_space<hbm>> -> memref<64x512xf32, #tpu.memory_space<hbm>>
          tpu.wait_dma2 semaphore(%arg12 : memref<!tpu.dma_semaphore, #tpu.memory_space<semaphore_mem>>) src(%arg8 : memref<64x512xf32, #tpu.memory_space<vmem>>) dst(%dma_wait3A_205 : memref<64x512xf32, #tpu.memory_space<hbm>>)
        } else {
        }
        %add3A_123 = arith.constant 1 : i32
        %add3A_124 = arith.addi %add3A_101, %add3A_123 : i32
        %mul3A_125 = arith.constant 64 : i32
        %mul3A_126 = arith.muli %add3A_124, %mul3A_125 : i32
        %add3A_127 = arith.addi %mul3A_2, %mul3A_126 : i32
        %jit3A_128 = arith.constant 256 : i32
        %div3A_129 = arith.divsi %add3A_127, %jit3A_128 : i32
        %sign3A_130 = arith.constant 0 : i32
        %sign3A_131 = arith.cmpi sgt, %add3A_127, %sign3A_130 : i32
        %sign3A_132 = arith.extui %sign3A_131 : i1 to i32
        %sign3A_133 = arith.constant 0 : i32
        %sign3A_134 = arith.cmpi slt, %add3A_127, %sign3A_133 : i32
        %sign3A_135 = arith.extui %sign3A_134 : i1 to i32
        %sign3A_136 = arith.subi %sign3A_132, %sign3A_135 : i32
        %sign3A_137 = arith.constant 0 : i32
        %sign3A_138 = arith.cmpi sgt, %jit3A_128, %sign3A_137 : i32
        %sign3A_139 = arith.extui %sign3A_138 : i1 to i32
        %sign3A_140 = arith.constant 0 : i32
        %sign3A_141 = arith.cmpi slt, %jit3A_128, %sign3A_140 : i32
        %sign3A_142 = arith.extui %sign3A_141 : i1 to i32
        %sign3A_143 = arith.subi %sign3A_139, %sign3A_142 : i32
        %ne3A_144 = arith.cmpi ne, %sign3A_136, %sign3A_143 : i32
        %rem3A_145 = arith.remsi %add3A_127, %jit3A_128 : i32
        %ne3A_146 = arith.constant 0 : i32
        %ne3A_147 = arith.cmpi ne, %rem3A_145, %ne3A_146 : i32
        %and3A_148 = arith.andi %ne3A_144, %ne3A_147 : i1
        %sub3A_149 = arith.constant 1 : i32
        %sub3A_150 = arith.subi %div3A_129, %sub3A_149 : i32
        %select_n3A_151 = arith.select %and3A_148, %sub3A_150, %div3A_129 : i32
        %rem3A_152 = arith.constant 256 : i32
        %rem3A_153 = arith.remsi %add3A_127, %rem3A_152 : i32
        %add3A_154 = arith.constant 0 : i32
        %add3A_155 = arith.addi %rem3A_153, %add3A_154 : i32
        %get3A_156 = arith.index_cast %add3A_155 : i32 to index
        %get3A_157 = tpu.vector_load %arg5[%get3A_156] {strides = array<i32>} : memref<256xi32, #tpu.memory_space<vmem>>, vector<16xi32>,
        %mul3A_158 = arith.constant 256 : i32
        %mul3A_159 = arith.muli %select_n3A_151, %mul3A_158 : i32
        %add3A_160 = vector.broadcast %mul3A_159 : i32 to vector<16xi32>
        %add3A_161 = arith.addi %get3A_157, %add3A_160 : vector<16xi32>
        %swap3A_162 = arith.constant 0 : index
        %swap3A_163 = tpu.vector_load %arg6[%swap3A_162] {strides = array<i32>} : memref<64xi32, #tpu.memory_space<vmem>>, vector<16xi32>,
        tpu.vector_store %arg6[%swap3A_162], %add3A_161 {strides = array<i32>} : memref<64xi32, #tpu.memory_space<vmem>>, vector<16xi32>,
        %add3A_164 = arith.constant 16 : i32
        %add3A_165 = arith.addi %rem3A_153, %add3A_164 : i32
        %get3A_166 = arith.index_cast %add3A_165 : i32 to index
        %get3A_167 = tpu.vector_load %arg5[%get3A_166] {strides = array<i32>} : memref<256xi32, #tpu.memory_space<vmem>>, vector<16xi32>,
        %mul3A_168 = arith.constant 256 : i32
        %mul3A_169 = arith.muli %select_n3A_151, %mul3A_168 : i32
        %add3A_170 = vector.broadcast %mul3A_169 : i32 to vector<16xi32>
        %add3A_171 = arith.addi %get3A_167, %add3A_170 : vector<16xi32>
        %swap3A_172 = arith.constant 16 : index
        %swap3A_173 = tpu.vector_load %arg6[%swap3A_172] {strides = array<i32>} : memref<64xi32, #tpu.memory_space<vmem>>, vector<16xi32>,
        tpu.vector_store %arg6[%swap3A_172], %add3A_171 {strides = array<i32>} : memref<64xi32, #tpu.memory_space<vmem>>, vector<16xi32>,
        %add3A_174 = arith.constant 32 : i32
        %add3A_175 = arith.addi %rem3A_153, %add3A_174 : i32
        %get3A_176 = arith.index_cast %add3A_175 : i32 to index
        %get3A_177 = tpu.vector_load %arg5[%get3A_176] {strides = array<i32>} : memref<256xi32, #tpu.memory_space<vmem>>, vector<16xi32>,
        %mul3A_178 = arith.constant 256 : i32
        %mul3A_179 = arith.muli %select_n3A_151, %mul3A_178 : i32
        %add3A_180 = vector.broadcast %mul3A_179 : i32 to vector<16xi32>
        %add3A_181 = arith.addi %get3A_177, %add3A_180 : vector<16xi32>
        %swap3A_182 = arith.constant 32 : index
        %swap3A_183 = tpu.vector_load %arg6[%swap3A_182] {strides = array<i32>} : memref<64xi32, #tpu.memory_space<vmem>>, vector<16xi32>,
        tpu.vector_store %arg6[%swap3A_182], %add3A_181 {strides = array<i32>} : memref<64xi32, #tpu.memory_space<vmem>>, vector<16xi32>,
        %add3A_184 = arith.constant 48 : i32
        %add3A_185 = arith.addi %rem3A_153, %add3A_184 : i32
        %get3A_186 = arith.index_cast %add3A_185 : i32 to index
        %get3A_187 = tpu.vector_load %arg5[%get3A_186] {strides = array<i32>} : memref<256xi32, #tpu.memory_space<vmem>>, vector<16xi32>,
        %mul3A_188 = arith.constant 256 : i32
        %mul3A_189 = arith.muli %select_n3A_151, %mul3A_188 : i32
        %add3A_190 = vector.broadcast %mul3A_189 : i32 to vector<16xi32>
        %add3A_191 = arith.addi %get3A_187, %add3A_190 : vector<16xi32>
        %swap3A_192 = arith.constant 48 : index
        %swap3A_193 = tpu.vector_load %arg6[%swap3A_192] {strides = array<i32>} : memref<64xi32, #tpu.memory_space<vmem>>, vector<16xi32>,
        tpu.vector_store %arg6[%swap3A_192], %add3A_191 {strides = array<i32>} : memref<64xi32, #tpu.memory_space<vmem>>, vector<16xi32>,
        %dma_start3A_194 = arith.constant 0 : i32
        %dma_start3A_195 = arith.constant 0 : i32
        %dma_start3A_196 = tpu.memref_slice %arg2[%dma_start3A_194, %dma_start3A_195] : memref<65536x512xf32, #tpu.memory_space<hbm>> -> memref<65536x512xf32, #tpu.memory_space<hbm>>
        tpu.enqueue_indirect_dma source(%dma_start3A_196 : memref<65536x512xf32, #tpu.memory_space<hbm>>) target(%arg8 : memref<64x512xf32, #tpu.memory_space<vmem>>) offsets(%arg6 : memref<64xi32, #tpu.memory_space<vmem>>) semaphore(%arg10 : memref<!tpu.dma_semaphore, #tpu.memory_space<semaphore_mem>>)
      } else {
      }
      %dma_wait3A_109 = arith.constant 0 : i32
      %dma_wait3A_110 = arith.constant 0 : i32
      %dma_wait3A_111 = tpu.memref_slice %arg2[%dma_wait3A_109, %dma_wait3A_110] : memref<65536x512xf32, #tpu.memory_space<hbm>> -> memref<65536x512xf32, #tpu.memory_space<hbm>>
      tpu.wait_indirect_dma semaphore(%arg11 : memref<!tpu.dma_semaphore, #tpu.memory_space<semaphore_mem>>) src(%dma_wait3A_111 : memref<65536x512xf32, #tpu.memory_space<hbm>>) dst(%arg9 : memref<64x512xf32, #tpu.memory_space<vmem>>)
      %mul3A_112 = arith.constant 64 : i32
      %mul3A_113 = arith.muli %add3A_101, %mul3A_112 : i32
      %add3A_114 = arith.addi %mul3A_2, %mul3A_113 : i32
      %dma_start3A_115 = arith.constant 0 : i32
      %dma_start3A_116 = tpu.memref_slice %arg4[%add3A_114, %dma_start3A_115] : memref<65536x512xf32, #tpu.memory_space<hbm>> -> memref<64x512xf32, #tpu.memory_space<hbm>>
      %dma_start3A_117 = arith.constant 0 : i32
      %dma_start3A_118 = tpu.memref_slice %arg4[%add3A_114, %dma_start3A_117] : memref<65536x512xf32, #tpu.memory_space<hbm>> -> memref<64x512xf32, #tpu.memory_space<hbm>>
      tpu.enqueue_dma source(%arg9 : memref<64x512xf32, #tpu.memory_space<vmem>>) target(%dma_start3A_118 : memref<64x512xf32, #tpu.memory_space<hbm>>) target_semaphore(%arg13 : memref<!tpu.dma_semaphore, #tpu.memory_space<semaphore_mem>>)
    }
    %scan3A_67 = arith.constant 16 : i32
    %add3A_68 = arith.constant 1920 : i32
    %add3A_69 = arith.addi %mul3A_2, %add3A_68 : i32
    %dma_wait3A = arith.constant 0 : i32
    %dma_wait3A_70 = tpu.memref_slice %arg4[%add3A_69, %dma_wait3A] : memref<65536x512xf32, #tpu.memory_space<hbm>> -> memref<64x512xf32, #tpu.memory_space<hbm>>
    %dma_wait3A_71 = arith.constant 0 : i32
    %dma_wait3A_72 = tpu.memref_slice %arg4[%add3A_69, %dma_wait3A_71] : memref<65536x512xf32, #tpu.memory_space<hbm>> -> memref<64x512xf32, #tpu.memory_space<hbm>>
    tpu.wait_dma2 semaphore(%arg12 : memref<!tpu.dma_semaphore, #tpu.memory_space<semaphore_mem>>) src(%arg8 : memref<64x512xf32, #tpu.memory_space<vmem>>) dst(%dma_wait3A_72 : memref<64x512xf32, #tpu.memory_space<hbm>>)
    %add3A_73 = arith.constant 1984 : i32
    %add3A_74 = arith.addi %mul3A_2, %add3A_73 : i32
    %dma_wait3A_75 = arith.constant 0 : i32
    %dma_wait3A_76 = tpu.memref_slice %arg4[%add3A_74, %dma_wait3A_75] : memref<65536x512xf32, #tpu.memory_space<hbm>> -> memref<64x512xf32, #tpu.memory_space<hbm>>
    %dma_wait3A_77 = arith.constant 0 : i32
    %dma_wait3A_78 = tpu.memref_slice %arg4[%add3A_74, %dma_wait3A_77] : memref<65536x512xf32, #tpu.memory_space<hbm>> -> memref<64x512xf32, #tpu.memory_space<hbm>>
    tpu.wait_dma2 semaphore(%arg13 : memref<!tpu.dma_semaphore, #tpu.memory_space<semaphore_mem>>) src(%arg9 : memref<64x512xf32, #tpu.memory_space<vmem>>) dst(%dma_wait3A_78 : memref<64x512xf32, #tpu.memory_space<hbm>>)
    return
  }
}

</mosaic_0001>

<sc_bundles>
// kernel: kernel.3.cloned.1.call-start
scs
__scs_entry_jumppad:
0x0: {  	(pc) =	sbr.rel $0x88, $3  }
0x1: {  	(tag) =	ssettag $0x0;
	lr =	simm.s32 $0x1  }
0x2: {  	[smem:$0x3F9F] =	sst lr;
	_ =	strace $0xD0000000  }
0x3: {  	_ = 	snop  }
0x4: {  	_ = 	snop  }
0x5: {  	_ = 	snop  }
0x6: {  	_ = 	snop  }
0x7: {  	_ = 	snop  }
__scs_overlays_trampoline_lowered:
0x8: {  	[smem:$0x3FAE] =	sst s0  }
0x9: {  	[smem:$0x3FAF] =	sst s1  }
0xa: {  	[smem:$0x3FB0] =	sst s2  }
0xb: {  	[smem:$0x3FB1] =	sst s3  }
0xc: {  	[smem:$0x3FB2] =	sst s4  }
0xd: {  	[smem:$0x3FB3] =	sst s5  }
0xe: {  	[smem:$0x3FB4] =	sst s6  }
0xf: {  	[smem:$0x3FB5] =	sst s7  }
0x10: {  	[smem:$0x3FB6] =	sst s8  }
0x11: {  	[smem:$0x3FB7] =	sst s9;
	s0 =	simm.s32 @!p0 $0x0  }
0x12: {  	s1 =	sld [smem:$0x3F9D];
	s0 =	simm.s32 @p0 $0x1  }
0x13: {  	[smem:$0x3FB8] =	sst s0;
	s0 =	simm.s32 @!p1 $0x0  }
0x14: {  	s2 =	sld [smem:$0x3F9C];
	s0 =	simm.s32 @p1 $0x1  }
0x15: {  	[smem:$0x3FB9] =	sst s0;
	s0 =	simm.s32 @!p2 $0x0  }
0x16: {  	s3 =	sld [smem:$0x3FDB];
	s0 =	simm.s32 @p2 $0x1  }
0x17: {  	s4 =	simm.s32 $0x1BF5;
	[smem:$0x3FBB] =	sst s0  }
0x18: {  	s0 =	sld [smem:$0x3F9E];
	_ =	swait.ge [sflag:s4], $0x0  }
0x19: {  	s7 =	sld [smem:$0x3F9F]  }
0x1a: {  	s8 =	sadd.s32 $0xFFFFE003, lr  }
0x1b: {  	s9 =	sadd.s32 $0xFFFFFEF7, lr;
	s5 =	simm.s32 $0xFFFFFFFF;
	p2 =	slt.u32 s8, $0xFFFFF086  }
0x1c: {  	p1 =	slt.u32 s9, $0xF7A;
	s5 =	simm.s32 @!p2 $0x0  }
0x1d: {  	s5 =	simm.s32 @p1 $0x1;
	p0 =	seq.s32 s7, s2  }
0x1e: {  	s7 =	smul.u32 @!p0 $0xF7A, s2;
	p2 =	seq.s32 @!p0 s5, $0x0  }
0x1f: {  	s9 =	smul.u32 $0xF7A, s1;
	s8 =	simm.s32 @!p0 $0x1BF5;
	p2 =	por !p2, p0  }
0x20: {  	[sflag:s8] =	ssyncset.s32 @!p0 $0xFFFFF086;
	s6 =	sadd.s32 @!p0 s3, s7;
	s7 =	simm.s32 @!p0 $0x108  }
0x21: {  	s3 =	sadd.s32 s3, s9;
	s6 =	sadd.s32 @!p0 $0x88, s6;
	s7 =	simm.s32 @p2 $0x1082  }
0x22: {  	[simem:s7], [sflag:s8] =	dma.local @!p0 [hbm:s6], $0xF7A  }
0x23: {  	s9 =	sor.u32 $0xD0000000, s2;
	s6 =	simm.s32 $0x108;
	_ =	swait.ge @!p0 [sflag:s8], $0x0  }
0x24: {  	s3 =	sadd.s32 $0x88, s3;
	s6 =	simm.s32 @!p1 $0x1082;
	[sflag:s4] =	ssyncset.s32 $0xFFFFF086  }
0x25: {  	[simem:s6], [sflag:s4] =	dma.local [hbm:s3], $0xF7A  }
0x26: {  	[smem:$0x3F9F] =	sst s1;
	(tag) =	ssettag s2;
	_ =	strace s9  }
0x27: {  	s1 =	sld [smem:$0x3FAF]  }
0x28: {  	s2 =	sld [smem:$0x3FB0]  }
0x29: {  	s4 =	sld [smem:$0x3FB2]  }
0x2a: {  	p0 =	seq.s32 s5, $0x0;
	s5 =	sld [smem:$0x3FB3]  }
0x2b: {  	s6 =	sld [smem:$0x3FB4]  }
0x2c: {  	s7 =	sld [smem:$0x3FB5]  }
0x2d: {  	s3 =	simm.s32 $0x108;
	s8 =	sld [smem:$0x3FB6]  }
0x2e: {  	s3 =	simm.s32 @!p0 $0x1082;
	s9 =	sld [smem:$0x3FB7]  }
0x2f: {  	lr =	sadd.s32 s0, s3;
	s0 =	sld [smem:$0x3FAE]  }
0x30: {  	s3 =	sld [smem:$0x3FB1]  }
0x31: {  	[smem:$0x3FBA] =	sst s10  }
0x32: {  	s10 =	sld [smem:$0x3FB8];
	_ =	sdelay $0x3  }
0x33: {  	p0 =	seq.s32 s10, $0x1;
	s10 =	sld [smem:$0x3FBA];
	_ =	sdelay $0x3  }
0x34: {  	[smem:$0x3FBA] =	sst s10  }
0x35: {  	s10 =	sld [smem:$0x3FB9];
	_ =	sdelay $0x3  }
0x36: {  	p1 =	seq.s32 s10, $0x1;
	s10 =	sld [smem:$0x3FBA];
	_ =	sdelay $0x3  }
0x37: {  	[smem:$0x3FBA] =	sst s10  }
0x38: {  	s10 =	sld [smem:$0x3FBB]  }
0x39: {  	_ = 	snop;
	(pc) =	sbr.ind lr, $3  }
0x3a: {  	_ = 	snop  }
0x3b: {  	_ = 	snop  }
0x3c: {  	p2 =	seq.s32 s10, $0x1;
	s10 =	sld [smem:$0x3FBA]  }
0x3d: {  	_ =	shalt  }
0x3e: {  	_ =	shalt  }
0x3f: {  	_ =	shalt  }
0x40: {  	_ =	shalt  }
0x41: {  	_ =	shalt  }
0x42: {  	_ =	shalt  }
0x43: {  	_ =	shalt  }
0x44: {  	_ =	shalt  }
0x45: {  	_ =	shalt  }
0x46: {  	_ =	shalt  }
0x47: {  	_ =	shalt  }
0x48: {  	_ =	shalt  }
0x49: {  	_ =	shalt  }
0x4a: {  	_ =	shalt  }
0x4b: {  	_ =	shalt  }
0x4c: {  	_ =	shalt  }
0x4d: {  	_ =	shalt  }
0x4e: {  	_ =	shalt  }
0x4f: {  	_ =	shalt  }
0x50: {  	_ =	shalt  }
0x51: {  	_ =	shalt  }
0x52: {  	_ =	shalt  }
0x53: {  	_ =	shalt  }
0x54: {  	_ =	shalt  }
0x55: {  	_ =	shalt  }
0x56: {  	_ =	shalt  }
0x57: {  	_ =	shalt  }
0x58: {  	_ =	shalt  }
0x59: {  	_ =	shalt  }
0x5a: {  	_ =	shalt  }
0x5b: {  	_ =	shalt  }
0x5c: {  	_ =	shalt  }
0x5d: {  	_ =	shalt  }
0x5e: {  	_ =	shalt  }
0x5f: {  	_ =	shalt  }
0x60: {  	_ =	shalt  }
0x61: {  	_ =	shalt  }
0x62: {  	_ =	shalt  }
0x63: {  	_ =	shalt  }
0x64: {  	_ =	shalt  }
0x65: {  	_ =	shalt  }
0x66: {  	_ =	shalt  }
0x67: {  	_ =	shalt  }
0x68: {  	_ =	shalt  }
0x69: {  	_ =	shalt  }
0x6a: {  	_ =	shalt  }
0x6b: {  	_ =	shalt  }
0x6c: {  	_ =	shalt  }
0x6d: {  	_ =	shalt  }
0x6e: {  	_ =	shalt  }
0x6f: {  	_ =	shalt  }
0x70: {  	_ =	shalt  }
0x71: {  	_ =	shalt  }
0x72: {  	_ =	shalt  }
0x73: {  	_ =	shalt  }
0x74: {  	_ =	shalt  }
0x75: {  	_ =	shalt  }
0x76: {  	_ =	shalt  }
0x77: {  	_ =	shalt  }
0x78: {  	_ =	shalt  }
0x79: {  	_ =	shalt  }
0x7a: {  	_ =	shalt  }
0x7b: {  	_ =	shalt  }
0x7c: {  	_ =	shalt  }
0x7d: {  	_ =	shalt  }
0x7e: {  	_ =	shalt  }
0x7f: {  	_ =	shalt  }
0x80: {  	_ =	shalt  }
0x81: {  	_ =	shalt  }
0x82: {  	_ =	shalt  }
0x83: {  	_ =	shalt  }
0x84: {  	_ =	shalt  }
0x85: {  	_ =	shalt  }
0x86: {  	_ =	shalt  }
0x87: {  	_ =	shalt  }
.Lfunc_end0:
.L_simem_size_0:
called_computation_lowered:
.L_overlay_start_0:
0x88: {  	s2 =	sld [smem:$0x3FD9]  }
0x89: {  	s3 =	sld [smem:$0x3FFE];
	_ =	sdelay $0x1  }
0x8a: {  	s1 =	srdreg.scid  }
0x8b: {  	s0 =	sand.u32 $0x1, s1  }
0x8c: {  	s18 =	sshll.u32 s0, $0xA;
	s2 =	sadd.s32 s3, s2  }
0x8d: {  	s2 =	sadd.s32 s2, s18  }
0x8e: {  	[smem:$0x3FC6] =	sst s2  }
0x8f: {  	_ = 	snop  }
0x90: {  	s2 =	sld [smem:$0x3FC9]  }
0x91: {  	s19 =	sld [smem:$0x3FC8]  }
0x92: {  	s4 =	sld [smem:$0x3FD0];
	(tm) =	ssettm $0x1  }
0x93: {  	s5 =	sld [smem:$0x3FFB];
	_ =	sdelay $0x3  }
0x94: {  	_ =	strace s5  }
0x95: {  	s5 =	sld [smem:$0x3FFC];
	_ =	sdelay $0x3  }
0x96: {  	_ =	strace s5  }
0x97: {  	s5 =	sld [smem:$0x3FFD];
	_ =	sdelay $0x3  }
0x98: {  	_ =	strace s5  }
0x99: {  	_ =	strace $0x8FFFFFFF  }
0x9a: {  	s20 =	sld [smem:$0x3FDB];
	_ =	sdelay $0x1  }
0x9b: {  	s6 =	simm.s32 $_scs_section_size  }
0x9c: {  	s7 =	simm.s32 $_size__tile_overlayer_lowered;
	s8 =	simm.s32 $_tile_overlayer_lowered  }
0x9d: {  	s23 =	simm.s32 $0x1BFF;
	s22 =	sshll.u32 s8, $0x1;
	s5 =	sadd.s32 s6, s20  }
0x9e: {  	s9 =	simm.s32 $0x0;
	s21 =	sshll.u32 s7, $0x1;
	s7 =	sadd.s32 s22, s5  }
0x9f: {  	[timem:s9], [sflag:s23] =	dma.local [hbm:s7], s21  }
0xa0: {  	_ =	swait.ge [sflag:s23], s21  }
0xa1: {  	s6 =	ssub.s32 $0x0, s21;
	[sflag:s23] =	ssyncset.done $0x0  }
0xa2: {  	[sflag:s23] =	ssyncadd.s32 s6;
	_ =	sdelay $0x1  }
0xa3: {  	s24 =	simm.s32 $0x1B8B  }
0xa4: {  	_ =	swait.ge [sflag:s24], $0x1  }
0xa5: {  	[sflag:s24] =	ssyncset.done $0x0  }
0xa6: {  	s25 =	simm.s32 $0x1B8E;
	[sflag:s24] =	ssyncadd.s32 $0xFFFFFFFF  }
0xa7: {  	s26 =	simm.s32 $execute0_lowered;
	[smem:$0x3FD2] =	sst s25  }
0xa8: {  	s6 =	sshll.u32 s26, $0x1;
	_ =	strace $0x80000046;
	[dreg:$0x1] =	wrdreg $0xFFFFFFFF  }
0xa9: {  	s28 =	simm.s32 $_size_execute0_lowered;
	s5 =	sadd.s32 s5, s6;
	[dreg:$0x0] =	wrdreg $0x0  }
0xaa: {  	s6 =	sshll.u32 s28, $0x1;
	[dreg:$0x2] =	wrdreg s5  }
0xab: {  	[dreg:$0x3] =	wrdreg s6  }
0xac: {  	[dreg:$0x4] =	wrdreg $0xC0  }
0xad: {  	_ =	task [dreg:s9], $0x5FFFF  }
0xae: {  	[dreg:$0x1] =	wrdreg $0xFFFFFFFF  }
0xaf: {  	[dreg:$0x0] =	wrdreg $0x60  }
0xb0: {  	[dreg:$0x2] =	wrdreg s2  }
0xb1: {  	[dreg:$0x3] =	wrdreg s19  }
0xb2: {  	[dreg:$0x4] =	wrdreg s4  }
0xb3: {  	[dreg:$0x5] =	wrdreg $0x9  }
0xb4: {  	_ =	task.clear_ibuf [dreg:s9], $0x6FFFF;
	_ =	strace $0x90000046  }
0xb5: {  	s29 =	simm.s32 $0x9;
	_ =	strace $0x80000048  }
0xb6: {  	_ =	swait.ge [sflag:s29], $0x1  }
0xb7: {  	[sflag:s29] =	ssyncadd.s32 $0xFFFFFFFF  }
0xb8: {  	_ =	strace $0x90000048  }
0xb9: {  	_ =	sfence  }
0xba: {  	s30 =	sld [smem:$0x0];
	_ =	sdelay $0x2  }
0xbb: {  	s31 =	sshll.u32 s1, $0xD;
	s1 =	sshrl.u32 s1, $0x2  }
0xbc: {  	s3 =	sand.u32 $0x4000, s31;
	s1 =	sadd.s32 s1, s30  }
0xbd: {  	s0 =	sor.u32 s3, s0;
	s1 =	sshll.u32 s1, $0x11  }
0xbe: {  	s0 =	sor.u32 s1, s0  }
0xbf: {  	s0 =	sadd.s32 $0x8F2B, s0  }
0xc0: {  	[sflag:s0] =	ssyncadd.remote.s32 $0x1  }
0xc1: {  	_ =	sfence.sel $0xFFFF  }
0xc2: {  	[dreg:$0x0] =	wrdreg $0xFFFFFFFF;
	(pc) =	sbr.abs _section_cstart, $3  }
0xc3: {  	[dreg:$0x1] =	wrdreg $0xFFFFFFFF  }
0xc4: {  	_ =	task.clear_ibuf [dreg:s9], $0x2FFFF;
	_ =	strace $0x9FFFFFFF  }
0xc5: {  	(tm) =	ssettm $0x7FFFFFFF  }
tec
execute0_lowered:
.L_overlay_start_1:
0x0: {  	(tag) =	ssettag $0x1  }
0x1: {  	s1 =	rddreg [dreg:$0x0]  }
0x2: {  	s0 =	rddreg [dreg:$0x2];
	s2 =	srdreg.scid;
	s3 =	simm.s32 $0x0  }
0x3: {  	s7 =	stileid.u32;
	s10 =	simm.s32 $0x200;
	s24 =	simm.s32 $0x7200  }
0x4: {  	s25 =	simm.s32 $0x7A00;
	s28 =	simm.s32 $0x8A00;
	s29 =	simm.s32 $0x9200  }
0x5: {  	s30 =	simm.s32 $0x9A00;
	s31 =	simm.s32 $0xA200;
	s8 =	simm.s32 $0xCA00  }
0x6: {  	s9 =	simm.s32 $0xD200;
	s11 =	simm.s32 $0xDA00;
	s12 =	simm.s32 $0xE200  }
0x7: {  	s13 =	simm.s32 $0xEA00;
	s14 =	simm.s32 $0xF200;
	s15 =	simm.s32 $0xFA00  }
0x8: {  	s16 =	simm.s32 $0x1;
	s17 =	simm.s32 $0x2;
	s18 =	simm.s32 $0x3  }
0x9: {  	s21 =	simm.s32 $0x0;
	s2 =	sand.u32 $0x1, s2;
	[smem:$0x7FF] =	sst s3  }
0xa: {  	s26 =	sshll.u32 s7, $0xC;
	s7 =	sshll.u32 s7, $0x12;
	s4 =	ssub.s32 $0x2, s2  }
0xb: {  	_ =	strace $0x80000047;
	s6 =	sshll.u32 s2, $0xB;
	s0 =	sadd.s32 s7, s0  }
.Ltmp0:
0xc: {  	s2 =	sshll.u32 s2, $0x11;
	s7 =	simm.s32 $0xC200;
	(pc) =	sbr.rel .LBB2_1-.Ltmp0, $4  }
0xd: {  	s5 =	sshrl.u32 s4, $0x1;
	s0 =	sadd.s32 s2, s0;
	s2 =	simm.s32 $0xBA00  }
0xe: {  	v3 =	vlaneseq.u32;
	s4 =	ssub.s32 s4, s5;
	s5 =	sor.u32 s6, s26;
	s6 =	sadd.s32 $0x100, s1  }
0xf: {  	vm0 =	vmmov $0xffff;
	v1 =	vand.u32 $0x7, v3;
	v2 =	vshrl.u32 v3, $0x3;
	[dreg:$0x5] =	wrdreg s0;
	s26 =	simm.s32 $0x8200;
	s4 =	smax.u32 s4, $0x1  }
0x10: {  	v3 =	vor.u32 $0x8, v3;
	v2 =	vmul.u32 $0x8, v2;
	s0 =	simm.s32 $0xAA00;
	v0 =	vmov s5;
	[dreg:$0x4] =	wrdreg s4;
	s4 =	simm.s32 $0xB200  }
.LBB2_5:
0x11: {  	_ =	swait.ge [sflag:s18], $0x8000  }
0x12: {  	[sflag:s18] =	ssyncset.done $0x0  }
0x13: {  	s20 =	simm.s32 $0x4;
	[sflag:s18] =	ssyncadd.s32 $0xFFFF8000  }
0x14: {  	_ =	swait.ge [sflag:s20], $0x8000  }
0x15: {  	s21 =	rddreg [dreg:$0x6]  }
0x16: {  	s19 =	rddreg [dreg:$0x4];
	s21 =	sadd.s32 $0x1, s21  }
0x17: {  	p0 =	sne.s32 s21, s19  }
.Ltmp1:
0x18: {  	_ = 	snop;
	(pc) =	sbr.rel @!p0 .LBB2_6-.Ltmp1, $3  }
0x19: {  	_ =	sdelay $0x1  }
0x1a: {  	[sflag:s20] =	ssyncset.done $0x0  }
0x1b: {  	[sflag:s20] =	ssyncadd.s32 $0xFFFF8000  }
.LBB2_1:
0x1c: {  	[dreg:$0x6] =	wrdreg s21  }
0x1d: {  	s19 =	rddreg [dreg:$0x1];
	s22 =	simm.s32 $0x5  }
0x1e: {  	[tilespmem:s3], [sflag:$0x5] =	stream.linear.gather [hbm4b:s19+s3], $0x100, $0x38;
	[tilespmem:$0x10200] =	vst v63  }
0x1f: {  	_ =	swait.ge [sflag:s22], $0x100  }
0x20: {  	[sflag:s22] =	ssyncset.done $0x0  }
0x21: {  	[sflag:s22] =	ssyncadd.s32 $0xFFFFFF00  }
0x22: {  	v4 =	vld [tilespmem:$0x0];
	_ =	sdelay $0x4  }
0x23: {  	v5 =	vadd.s32 v0, v4  }
0x24: {  	v6 =	vshll.u32 v5, $0x2  }
0x25: {  	v7 =	vld [tilespmem:$0x10];
	v4 =	vand.u32 $0x7, v4;
	v6 =	vand.u32 $0xFFFFFFE0, v6  }
0x26: {  	v8 =	vld [tilespmem:$0x20];
	v4 =	vor.u32 v4, v6  }
0x27: {  	v63 =	vld [tilespmem:$0x30];
	v9 =	vperm.xlane v4, v1;
	_ =	sdelay $0x1  }
0x28: {  	v9 =	vadd.s32 v2, v9  }
0x29: {  	[tilespmem:$0x100] =	vst v5;
	v5 =	vadd.s32 v0, v7  }
0x2a: {  	[tilespmem:$0x110] =	vst v5;
	v5 =	vadd.s32 v0, v8;
	v4 =	vperm.xlane v4, v3  }
0x2b: {  	[tilespmem:$0x120] =	vst v5;
	v5 =	vadd.s32 v0, v63  }
0x2c: {  	[tilespmem:$0x130] =	vst v5;
	v4 =	vadd.s32 v2, v4  }
0x2d: {  	[tilespmem:s10], [sflag:$0x1] =	stream.indirect_vreg.gather [hbm4b:s1+s3], $0x80, v9, vm0, $0xb8;
	[tilespmem:$0x10200] =	vst v63  }
0x2e: {  	s23 =	simm.s32 $0xA00  }
0x2f: {  	[tilespmem:s23], [sflag:$0x1] =	stream.indirect_vreg.gather [hbm4b:s6+s3], $0x80, v9, vm0, $0xb8;
	[tilespmem:$0x10200] =	vst v63  }
0x30: {  	s20 =	simm.s32 $0x1200  }
0x31: {  	[tilespmem:s20], [sflag:$0x1] =	stream.indirect_vreg.gather [hbm4b:s1+s3], $0x80, v4, vm0, $0xb8;
	[tilespmem:$0x10200] =	vst v63  }
0x32: {  	s21 =	simm.s32 $0x1A00  }
0x33: {  	[tilespmem:s21], [sflag:$0x1] =	stream.indirect_vreg.gather [hbm4b:s6+s3], $0x80, v4, vm0, $0xb8;
	[tilespmem:$0x10200] =	vst v63  }
0x34: {  	v4 =	vld [tilespmem:$0x110];
	_ =	sdelay $0x4  }
0x35: {  	v5 =	vshll.u32 v4, $0x2  }
0x36: {  	v4 =	vand.u32 $0x7, v4;
	v5 =	vand.u32 $0xFFFFFFE0, v5  }
0x37: {  	v4 =	vor.u32 v4, v5  }
0x38: {  	v5 =	vperm.xlane v4, v1;
	_ =	sdelay $0x1  }
0x39: {  	v5 =	vadd.s32 v2, v5;
	_ =	sdelay $0x1  }
0x3a: {  	v4 =	vperm.xlane v4, v3;
	_ =	sdelay $0x1  }
0x3b: {  	s22 =	simm.s32 $0x2200;
	v4 =	vadd.s32 v2, v4  }
0x3c: {  	[tilespmem:s22], [sflag:$0x1] =	stream.indirect_vreg.gather [hbm4b:s1+s3], $0x80, v5, vm0, $0xb8;
	[tilespmem:$0x10200] =	vst v63  }
0x3d: {  	s23 =	simm.s32 $0x2A00  }
0x3e: {  	[tilespmem:s23], [sflag:$0x1] =	stream.indirect_vreg.gather [hbm4b:s6+s3], $0x80, v5, vm0, $0xb8;
	[tilespmem:$0x10200] =	vst v63  }
0x3f: {  	s20 =	simm.s32 $0x3200  }
0x40: {  	[tilespmem:s20], [sflag:$0x1] =	stream.indirect_vreg.gather [hbm4b:s1+s3], $0x80, v4, vm0, $0xb8;
	[tilespmem:$0x10200] =	vst v63  }
0x41: {  	s21 =	simm.s32 $0x3A00  }
0x42: {  	[tilespmem:s21], [sflag:$0x1] =	stream.indirect_vreg.gather [hbm4b:s6+s3], $0x80, v4, vm0, $0xb8;
	[tilespmem:$0x10200] =	vst v63  }
0x43: {  	v4 =	vld [tilespmem:$0x120];
	_ =	sdelay $0x4  }
0x44: {  	v5 =	vshll.u32 v4, $0x2  }
0x45: {  	v4 =	vand.u32 $0x7, v4;
	v5 =	vand.u32 $0xFFFFFFE0, v5  }
0x46: {  	v4 =	vor.u32 v4, v5  }
0x47: {  	v5 =	vperm.xlane v4, v1;
	_ =	sdelay $0x1  }
0x48: {  	v5 =	vadd.s32 v2, v5;
	_ =	sdelay $0x1  }
0x49: {  	v4 =	vperm.xlane v4, v3;
	_ =	sdelay $0x1  }
0x4a: {  	s22 =	simm.s32 $0x4200;
	v4 =	vadd.s32 v2, v4  }
0x4b: {  	[tilespmem:s22], [sflag:$0x1] =	stream.indirect_vreg.gather [hbm4b:s1+s3], $0x80, v5, vm0, $0xb8;
	[tilespmem:$0x10200] =	vst v63  }
0x4c: {  	s23 =	simm.s32 $0x4A00  }
0x4d: {  	[tilespmem:s23], [sflag:$0x1] =	stream.indirect_vreg.gather [hbm4b:s6+s3], $0x80, v5, vm0, $0xb8;
	[tilespmem:$0x10200] =	vst v63  }
0x4e: {  	s20 =	simm.s32 $0x5200  }
0x4f: {  	[tilespmem:s20], [sflag:$0x1] =	stream.indirect_vreg.gather [hbm4b:s1+s3], $0x80, v4, vm0, $0xb8;
	[tilespmem:$0x10200] =	vst v63  }
0x50: {  	s21 =	simm.s32 $0x5A00  }
0x51: {  	[tilespmem:s21], [sflag:$0x1] =	stream.indirect_vreg.gather [hbm4b:s6+s3], $0x80, v4, vm0, $0xb8;
	[tilespmem:$0x10200] =	vst v63  }
0x52: {  	v4 =	vld [tilespmem:$0x130];
	_ =	sdelay $0x4  }
0x53: {  	v5 =	vshll.u32 v4, $0x2  }
0x54: {  	v4 =	vand.u32 $0x7, v4;
	v5 =	vand.u32 $0xFFFFFFE0, v5  }
0x55: {  	v4 =	vor.u32 v4, v5  }
0x56: {  	v5 =	vperm.xlane v4, v1;
	_ =	sdelay $0x1  }
0x57: {  	v5 =	vadd.s32 v2, v5;
	_ =	sdelay $0x2  }
0x58: {  	v4 =	vperm.xlane v4, v3  }
0x59: {  	s22 =	simm.s32 $0x6200  }
0x5a: {  	v4 =	vadd.s32 v2, v4;
	[tilespmem:s22], [sflag:$0x1] =	stream.indirect_vreg.gather [hbm4b:s1+s3], $0x80, v5, vm0, $0xb8;
	[tilespmem:$0x10200] =	vst v63  }
0x5b: {  	s23 =	simm.s32 $0x6A00  }
0x5c: {  	[tilespmem:s23], [sflag:$0x1] =	stream.indirect_vreg.gather [hbm4b:s6+s3], $0x80, v5, vm0, $0xb8;
	[tilespmem:$0x10200] =	vst v63  }
.Ltmp2:
0x5d: {  	_ = 	snop;
	(pc) =	sbr.rel .LBB2_2-.Ltmp2, $4  }
0x5e: {  	_ = 	snop  }
0x5f: {  	[tilespmem:s24], [sflag:$0x1] =	stream.indirect_vreg.gather [hbm4b:s1+s3], $0x80, v4, vm0, $0xb8;
	[tilespmem:$0x10200] =	vst v63  }
0x60: {  	s19 =	simm.s32 $0x80;
	s20 =	rddreg [dreg:$0x5]  }
0x61: {  	[tilespmem:s25], [sflag:$0x1] =	stream.indirect_vreg.gather [hbm4b:s6+s3], $0x80, v4, vm0, $0xb8;
	[tilespmem:$0x10200] =	vst v63  }
.LBB2_4:
0x62: {  	s19 =	sadd.s32 $0x80, s19  }
0x63: {  	p0 =	sne.s32 s19, $0x880  }
.Ltmp3:
0x64: {  	_ = 	snop;
	(pc) =	sbr.rel @!p0 .LBB2_5-.Ltmp3, $4  }
0x65: {  	_ =	swait.ge [sflag:s17], $0x8000  }
0x66: {  	[sflag:s17] =	ssyncset.done $0x0  }
0x67: {  	s21 =	sadd.s32 $0x1000, s20;
	s20 =	sadd.s32 $0x2000, s20;
	[sflag:s17] =	ssyncadd.s32 $0xFFFF8000  }
0x68: {  	[hbm4b:s21+s3] =	stream.linear.scatter [tilespmem:s26], [sflag:$0x4], $0x8000, $0x38;
	[tilespmem:$0x10200] =	vst v63  }
.LBB2_2:
0x69: {  	p0 =	seq.s32 s19, $0x80  }
0x6a: {  	s21 =	simm.s32 @!p0 $0x4  }
0x6b: {  	_ =	swait.ge @!p0 [sflag:s21], $0x8000  }
0x6c: {  	s22 =	sadd.s32 $0xFFFFFFC0, s19;
	[sflag:s21] =	ssyncset.done @!p0 $0x0  }
0x6d: {  	[sflag:s21] =	ssyncadd.s32 @!p0 $0xFFFF8000;
	s21 =	sand.u32 $0xC0, s22  }
0x6e: {  	v4 =	vld [tilespmem:s21+$0x0];
	_ =	sdelay $0x2  }
0x6f: {  	s22 =	sand.u32 $0x700, s22  }
0x70: {  	s22 =	sor.u32 s5, s22  }
0x71: {  	v5 =	vadd.s32 s22, v4  }
0x72: {  	s23 =	sor.u32 $0x50, s21;
	[tilespmem:$0x180] =	vst v5  }
0x73: {  	v6 =	vld [tilespmem:s23+$0x0];
	_ =	sdelay $0x4  }
0x74: {  	v6 =	vadd.s32 s22, v6  }
0x75: {  	s23 =	sor.u32 $0x60, s21;
	[tilespmem:$0x190] =	vst v6  }
0x76: {  	v6 =	vld [tilespmem:s23+$0x0];
	_ =	sdelay $0x3  }
0x77: {  	v5 =	vshll.u32 v5, $0x2  }
0x78: {  	v4 =	vand.u32 $0x7, v4;
	v5 =	vand.u32 $0xFFFFFFE0, v5;
	v6 =	vadd.s32 s22, v6  }
0x79: {  	s21 =	sor.u32 $0x70, s21;
	v4 =	vor.u32 v4, v5;
	[tilespmem:$0x1A0] =	vst v6  }
0x7a: {  	v63 =	vperm.xlane v4, v1;
	v5 =	vld [tilespmem:s21+$0x0];
	_ =	sdelay $0x1  }
0x7b: {  	v6 =	vadd.s32 v2, v63;
	_ =	sdelay $0x1  }
0x7c: {  	v4 =	vperm.xlane v4, v3  }
0x7d: {  	v5 =	vadd.s32 s22, v5  }
0x7e: {  	v4 =	vadd.s32 v2, v4;
	[tilespmem:$0x1B0] =	vst v5  }
0x7f: {  	[tilespmem:s26], [sflag:$0x2] =	stream.indirect_vreg.gather [hbm4b:s1+s3], $0x80, v6, vm0, $0xb8;
	[tilespmem:$0x10200] =	vst v63  }
0x80: {  	_ = 	snop  }
0x81: {  	[tilespmem:s28], [sflag:$0x2] =	stream.indirect_vreg.gather [hbm4b:s6+s3], $0x80, v6, vm0, $0xb8;
	[tilespmem:$0x10200] =	vst v63  }
0x82: {  	_ = 	snop  }
0x83: {  	[tilespmem:s29], [sflag:$0x2] =	stream.indirect_vreg.gather [hbm4b:s1+s3], $0x80, v4, vm0, $0xb8;
	[tilespmem:$0x10200] =	vst v63  }
0x84: {  	_ = 	snop  }
0x85: {  	[tilespmem:s30], [sflag:$0x2] =	stream.indirect_vreg.gather [hbm4b:s6+s3], $0x80, v4, vm0, $0xb8;
	[tilespmem:$0x10200] =	vst v63  }
0x86: {  	v4 =	vld [tilespmem:$0x190];
	_ =	sdelay $0x4  }
0x87: {  	v5 =	vshll.u32 v4, $0x2  }
0x88: {  	v4 =	vand.u32 $0x7, v4;
	v5 =	vand.u32 $0xFFFFFFE0, v5  }
0x89: {  	v4 =	vor.u32 v4, v5  }
0x8a: {  	v5 =	vperm.xlane v4, v1;
	_ =	sdelay $0x1  }
0x8b: {  	v5 =	vadd.s32 v2, v5;
	_ =	sdelay $0x1  }
0x8c: {  	v4 =	vperm.xlane v4, v3;
	_ =	sdelay $0x1  }
0x8d: {  	v4 =	vadd.s32 v2, v4  }
0x8e: {  	[tilespmem:s31], [sflag:$0x2] =	stream.indirect_vreg.gather [hbm4b:s1+s3], $0x80, v5, vm0, $0xb8;
	[tilespmem:$0x10200] =	vst v63  }
0x8f: {  	_ = 	snop  }
0x90: {  	[tilespmem:s0], [sflag:$0x2] =	stream.indirect_vreg.gather [hbm4b:s6+s3], $0x80, v5, vm0, $0xb8;
	[tilespmem:$0x10200] =	vst v63  }
0x91: {  	_ = 	snop  }
0x92: {  	[tilespmem:s4], [sflag:$0x2] =	stream.indirect_vreg.gather [hbm4b:s1+s3], $0x80, v4, vm0, $0xb8;
	[tilespmem:$0x10200] =	vst v63  }
0x93: {  	_ = 	snop  }
0x94: {  	[tilespmem:s2], [sflag:$0x2] =	stream.indirect_vreg.gather [hbm4b:s6+s3], $0x80, v4, vm0, $0xb8;
	[tilespmem:$0x10200] =	vst v63  }
0x95: {  	v4 =	vld [tilespmem:$0x1A0];
	_ =	sdelay $0x4  }
0x96: {  	v5 =	vshll.u32 v4, $0x2  }
0x97: {  	v4 =	vand.u32 $0x7, v4;
	v5 =	vand.u32 $0xFFFFFFE0, v5  }
0x98: {  	v4 =	vor.u32 v4, v5  }
0x99: {  	v5 =	vperm.xlane v4, v1;
	_ =	sdelay $0x1  }
0x9a: {  	v5 =	vadd.s32 v2, v5;
	_ =	sdelay $0x1  }
0x9b: {  	v4 =	vperm.xlane v4, v3;
	_ =	sdelay $0x1  }
0x9c: {  	v4 =	vadd.s32 v2, v4  }
0x9d: {  	[tilespmem:s7], [sflag:$0x2] =	stream.indirect_vreg.gather [hbm4b:s1+s3], $0x80, v5, vm0, $0xb8;
	[tilespmem:$0x10200] =	vst v63  }
0x9e: {  	_ = 	snop  }
0x9f: {  	[tilespmem:s8], [sflag:$0x2] =	stream.indirect_vreg.gather [hbm4b:s6+s3], $0x80, v5, vm0, $0xb8;
	[tilespmem:$0x10200] =	vst v63  }
0xa0: {  	_ = 	snop  }
0xa1: {  	[tilespmem:s9], [sflag:$0x2] =	stream.indirect_vreg.gather [hbm4b:s1+s3], $0x80, v4, vm0, $0xb8;
	[tilespmem:$0x10200] =	vst v63  }
0xa2: {  	_ = 	snop  }
0xa3: {  	[tilespmem:s11], [sflag:$0x2] =	stream.indirect_vreg.gather [hbm4b:s6+s3], $0x80, v4, vm0, $0xb8;
	[tilespmem:$0x10200] =	vst v63  }
0xa4: {  	v4 =	vld [tilespmem:$0x1B0];
	_ =	sdelay $0x4  }
0xa5: {  	v5 =	vshll.u32 v4, $0x2  }
0xa6: {  	v4 =	vand.u32 $0x7, v4;
	v5 =	vand.u32 $0xFFFFFFE0, v5  }
0xa7: {  	v4 =	vor.u32 v4, v5  }
0xa8: {  	v5 =	vperm.xlane v4, v1;
	_ =	sdelay $0x1  }
0xa9: {  	v5 =	vadd.s32 v2, v5;
	_ =	sdelay $0x1  }
0xaa: {  	v4 =	vperm.xlane v4, v3;
	_ =	sdelay $0x1  }
0xab: {  	v4 =	vadd.s32 v2, v4  }
0xac: {  	[tilespmem:s12], [sflag:$0x2] =	stream.indirect_vreg.gather [hbm4b:s1+s3], $0x80, v5, vm0, $0xb8;
	[tilespmem:$0x10200] =	vst v63  }
0xad: {  	_ = 	snop  }
0xae: {  	[tilespmem:s13], [sflag:$0x2] =	stream.indirect_vreg.gather [hbm4b:s6+s3], $0x80, v5, vm0, $0xb8;
	[tilespmem:$0x10200] =	vst v63  }
0xaf: {  	_ = 	snop  }
0xb0: {  	[tilespmem:s14], [sflag:$0x2] =	stream.indirect_vreg.gather [hbm4b:s1+s3], $0x80, v4, vm0, $0xb8;
	[tilespmem:$0x10200] =	vst v63  }
0xb1: {  	p0 =	seq.s32 s19, $0x800  }
0xb2: {  	[tilespmem:s15], [sflag:$0x2] =	stream.indirect_vreg.gather [hbm4b:s6+s3], $0x80, v4, vm0, $0xb8;
	[tilespmem:$0x10200] =	vst v63  }
.Ltmp4:
0xb3: {  	_ = 	snop;
	(pc) =	sbr.rel @p0 .LBB2_4-.Ltmp4, $4  }
0xb4: {  	_ =	swait.ge [sflag:s16], $0x8000  }
0xb5: {  	[sflag:s16] =	ssyncset.done $0x0  }
0xb6: {  	[sflag:s16] =	ssyncadd.s32 $0xFFFF8000  }
0xb7: {  	[hbm4b:s20+s3] =	stream.linear.scatter [tilespmem:s10], [sflag:$0x3], $0x8000, $0x38;
	[tilespmem:$0x10200] =	vst v63  }
0xb8: {  	_ =	swait.ge [sflag:s18], $0x8000  }
0xb9: {  	[sflag:s18] =	ssyncset.done $0x0  }
0xba: {  	s21 =	sand.u32 $0x80, s19;
	[sflag:s18] =	ssyncadd.s32 $0xFFFF8000  }
0xbb: {  	v4 =	vld [tilespmem:s21+$0x0];
	_ =	sdelay $0x2  }
0xbc: {  	s22 =	sadd.s32 s19, s5  }
0xbd: {  	s22 =	sand.u32 $0x1FF00, s22  }
0xbe: {  	v5 =	vadd.s32 s22, v4  }
0xbf: {  	[tilespmem:$0x100] =	vst v5  }
0xc0: {  	v6 =	vld [tilespmem:s21+$0x10];
	_ =	sdelay $0x4  }
0xc1: {  	v6 =	vadd.s32 s22, v6  }
0xc2: {  	[tilespmem:$0x110] =	vst v6  }
0xc3: {  	v6 =	vld [tilespmem:s21+$0x20];
	_ =	sdelay $0x3  }
0xc4: {  	v5 =	vshll.u32 v5, $0x2  }
0xc5: {  	v4 =	vand.u32 $0x7, v4;
	v5 =	vand.u32 $0xFFFFFFE0, v5;
	v6 =	vadd.s32 s22, v6  }
0xc6: {  	v4 =	vor.u32 v4, v5;
	[tilespmem:$0x120] =	vst v6  }
0xc7: {  	v63 =	vperm.xlane v4, v1;
	v5 =	vld [tilespmem:s21+$0x30];
	_ =	sdelay $0x1  }
0xc8: {  	v6 =	vadd.s32 v2, v63;
	_ =	sdelay $0x1  }
0xc9: {  	v4 =	vperm.xlane v4, v3  }
0xca: {  	v5 =	vadd.s32 s22, v5  }
0xcb: {  	v4 =	vadd.s32 v2, v4;
	[tilespmem:$0x130] =	vst v5  }
0xcc: {  	[tilespmem:s10], [sflag:$0x1] =	stream.indirect_vreg.gather [hbm4b:s1+s3], $0x80, v6, vm0, $0xb8;
	[tilespmem:$0x10200] =	vst v63  }
0xcd: {  	s23 =	simm.s32 $0xA00  }
0xce: {  	[tilespmem:s23], [sflag:$0x1] =	stream.indirect_vreg.gather [hbm4b:s6+s3], $0x80, v6, vm0, $0xb8;
	[tilespmem:$0x10200] =	vst v63  }
0xcf: {  	s22 =	simm.s32 $0x1200  }
0xd0: {  	[tilespmem:s22], [sflag:$0x1] =	stream.indirect_vreg.gather [hbm4b:s1+s3], $0x80, v4, vm0, $0xb8;
	[tilespmem:$0x10200] =	vst v63  }
0xd1: {  	s23 =	simm.s32 $0x1A00  }
0xd2: {  	[tilespmem:s23], [sflag:$0x1] =	stream.indirect_vreg.gather [hbm4b:s6+s3], $0x80, v4, vm0, $0xb8;
	[tilespmem:$0x10200] =	vst v63  }
0xd3: {  	v4 =	vld [tilespmem:$0x110];
	_ =	sdelay $0x4  }
0xd4: {  	v5 =	vshll.u32 v4, $0x2  }
0xd5: {  	v4 =	vand.u32 $0x7, v4;
	v5 =	vand.u32 $0xFFFFFFE0, v5  }
0xd6: {  	v4 =	vor.u32 v4, v5  }
0xd7: {  	v5 =	vperm.xlane v4, v1;
	_ =	sdelay $0x1  }
0xd8: {  	v5 =	vadd.s32 v2, v5;
	_ =	sdelay $0x1  }
0xd9: {  	v4 =	vperm.xlane v4, v3;
	_ =	sdelay $0x1  }
0xda: {  	s22 =	simm.s32 $0x2200;
	v4 =	vadd.s32 v2, v4  }
0xdb: {  	[tilespmem:s22], [sflag:$0x1] =	stream.indirect_vreg.gather [hbm4b:s1+s3], $0x80, v5, vm0, $0xb8;
	[tilespmem:$0x10200] =	vst v63  }
0xdc: {  	s23 =	simm.s32 $0x2A00  }
0xdd: {  	[tilespmem:s23], [sflag:$0x1] =	stream.indirect_vreg.gather [hbm4b:s6+s3], $0x80, v5, vm0, $0xb8;
	[tilespmem:$0x10200] =	vst v63  }
0xde: {  	s22 =	simm.s32 $0x3200  }
0xdf: {  	[tilespmem:s22], [sflag:$0x1] =	stream.indirect_vreg.gather [hbm4b:s1+s3], $0x80, v4, vm0, $0xb8;
	[tilespmem:$0x10200] =	vst v63  }
0xe0: {  	s23 =	simm.s32 $0x3A00  }
0xe1: {  	[tilespmem:s23], [sflag:$0x1] =	stream.indirect_vreg.gather [hbm4b:s6+s3], $0x80, v4, vm0, $0xb8;
	[tilespmem:$0x10200] =	vst v63  }
0xe2: {  	v4 =	vld [tilespmem:$0x120];
	_ =	sdelay $0x4  }
0xe3: {  	v5 =	vshll.u32 v4, $0x2  }
0xe4: {  	v4 =	vand.u32 $0x7, v4;
	v5 =	vand.u32 $0xFFFFFFE0, v5  }
0xe5: {  	v4 =	vor.u32 v4, v5  }
0xe6: {  	v5 =	vperm.xlane v4, v1;
	_ =	sdelay $0x1  }
0xe7: {  	v5 =	vadd.s32 v2, v5;
	_ =	sdelay $0x1  }
0xe8: {  	v4 =	vperm.xlane v4, v3;
	_ =	sdelay $0x1  }
0xe9: {  	s22 =	simm.s32 $0x4200;
	v4 =	vadd.s32 v2, v4  }
0xea: {  	[tilespmem:s22], [sflag:$0x1] =	stream.indirect_vreg.gather [hbm4b:s1+s3], $0x80, v5, vm0, $0xb8;
	[tilespmem:$0x10200] =	vst v63  }
0xeb: {  	s23 =	simm.s32 $0x4A00  }
0xec: {  	[tilespmem:s23], [sflag:$0x1] =	stream.indirect_vreg.gather [hbm4b:s6+s3], $0x80, v5, vm0, $0xb8;
	[tilespmem:$0x10200] =	vst v63  }
0xed: {  	s22 =	simm.s32 $0x5200  }
0xee: {  	[tilespmem:s22], [sflag:$0x1] =	stream.indirect_vreg.gather [hbm4b:s1+s3], $0x80, v4, vm0, $0xb8;
	[tilespmem:$0x10200] =	vst v63  }
0xef: {  	s23 =	simm.s32 $0x5A00  }
0xf0: {  	[tilespmem:s23], [sflag:$0x1] =	stream.indirect_vreg.gather [hbm4b:s6+s3], $0x80, v4, vm0, $0xb8;
	[tilespmem:$0x10200] =	vst v63  }
0xf1: {  	v4 =	vld [tilespmem:$0x130];
	_ =	sdelay $0x4  }
0xf2: {  	v5 =	vshll.u32 v4, $0x2  }
0xf3: {  	v4 =	vand.u32 $0x7, v4;
	v5 =	vand.u32 $0xFFFFFFE0, v5  }
0xf4: {  	v4 =	vor.u32 v4, v5  }
0xf5: {  	v5 =	vperm.xlane v4, v1;
	_ =	sdelay $0x1  }
0xf6: {  	v5 =	vadd.s32 v2, v5;
	_ =	sdelay $0x2  }
0xf7: {  	v4 =	vperm.xlane v4, v3  }
0xf8: {  	s22 =	simm.s32 $0x6200  }
0xf9: {  	v4 =	vadd.s32 v2, v4;
	[tilespmem:s22], [sflag:$0x1] =	stream.indirect_vreg.gather [hbm4b:s1+s3], $0x80, v5, vm0, $0xb8;
	[tilespmem:$0x10200] =	vst v63  }
0xfa: {  	s23 =	simm.s32 $0x6A00  }
0xfb: {  	[tilespmem:s23], [sflag:$0x1] =	stream.indirect_vreg.gather [hbm4b:s6+s3], $0x80, v5, vm0, $0xb8;
	[tilespmem:$0x10200] =	vst v63  }
.Ltmp5:
0xfc: {  	_ = 	snop;
	(pc) =	sbr.rel .LBB2_4-.Ltmp5, $4  }
0xfd: {  	_ = 	snop  }
0xfe: {  	[tilespmem:s24], [sflag:$0x1] =	stream.indirect_vreg.gather [hbm4b:s1+s3], $0x80, v4, vm0, $0xb8;
	[tilespmem:$0x10200] =	vst v63  }
0xff: {  	_ = 	snop  }
0x100: {  	[tilespmem:s25], [sflag:$0x1] =	stream.indirect_vreg.gather [hbm4b:s6+s3], $0x80, v4, vm0, $0xb8;
	[tilespmem:$0x10200] =	vst v63  }
.LBB2_6:
0x101: {  	_ =	sfence.sel $0x180000  }
0x102: {  	[bflag:$0x0] =	sbarrier.arrive $0xFFFF  }
0x103: {  	_ =	strace $0x90000047  }
0x104: {  	s0 =	stileid.u32;
	[bflag:$0x2] =	sbarrier.arrive $0xFFFF  }
0x105: {  	p0 =	sne.s32 s0, $0x0;
	s0 =	rddreg [dreg:$0x3]  }
0x106: {  	s0 =	sadd.s32 @!p0 $0x100000, s0  }
0x107: {  	[sflag:s0] =	ssyncadd.tile.s32 @!p0 $0x1;
	_ =	shalt  }
.Lfunc_end2:
_tile_overlayer_lowered:
.L_overlay_start_2:
0x108: {  	(tag) =	ssettag $0x2  }
0x109: {  	s0 =	rddreg [dreg:$0x0];
	s2 =	stileid.u32  }
0x10a: {  	s1 =	rddreg [dreg:$0x1];
	p0 =	sne.s32 s2, $0x0  }
0x10b: {  	s3 =	rddreg [dreg:$0x2];
	[bflag:$0x3] =	sbarrier.arrive $0xFFFF;
	s2 =	simm.s32 @!p0 $0x1C05  }
0x10c: {  	[timem:s3], [sflag:s2] =	dma.local @!p0 [hbm:s0], s1  }
0x10d: {  	s0 =	simm.s32 @!p0 $0x5  }
0x10e: {  	_ =	swait.ge @!p0 [sflag:s0], s1  }
0x10f: {  	s1 =	ssub.s32 @!p0 $0x0, s1;
	[sflag:s0] =	ssyncset.done @!p0 $0x0  }
0x110: {  	[sflag:s0] =	ssyncadd.s32 @!p0 s1  }
0x111: {  	[bflag:$0x3] =	sbarrier.arrive $0xFFFF  }
0x112: {  	_ =	shalt  }

</sc_bundles>
